<compile_context>
chip_gen: v7x
topology: tpu7x:2x2x1
jax: 0.10.2.dev20260603
libtpu: 0.0.44.dev20260713+nightly
codegen_flags: <defaults>
</compile_context>

<pallas_src>
import functools

import jax
import jax.numpy as jnp
from jax import lax
from jax.experimental import pallas as pl
from jax.experimental.pallas import tpu as pltpu
from jax.experimental.pallas import tpu_sc as plsc

_POOL = 1024
_LEN = 8
_DIM = 768
_K = 4
_B = 4
_HALF = _LEN * _DIM // 2


def _gumbel_rows():
    gkey = jax.random.key(42)
    outs = []
    for _ in range(_K):
        gkey, sub = jax.random.split(gkey)
        u = jax.random.uniform(sub, (_B, _POOL), minval=1e-20, maxval=1.0)
        g = -jnp.log(-jnp.log(u) + 1e-20)
        outs.append(jnp.pad(g, ((0, 8 - _B), (0, 0))))
    return outs


def _select_body(pk_ref, q_ref, g0, g1, g2, g3, out_ref):
    pk = pk_ref[...]
    pk = pk * lax.rsqrt(jnp.maximum(jnp.sum(pk * pk, axis=1, keepdims=True), 1e-12))
    qv = q_ref[...]
    qv = qv * lax.rsqrt(jnp.maximum(jnp.sum(qv * qv, axis=1, keepdims=True), 1e-12))
    sim = lax.dot_general(qv, pk, (((1,), (1,)), ((), ())),
                          preferred_element_type=jnp.float32)
    iota = lax.broadcasted_iota(jnp.int32, (8, _POOL), 1)
    cur = sim
    cols = []
    for g_ref in (g0, g1, g2, g3):
        logits = cur + g_ref[...]
        m = jnp.max(logits, axis=1, keepdims=True)
        idx = jnp.min(jnp.where(logits == m, iota, jnp.int32(2 ** 30)),
                      axis=1, keepdims=True)
        cols.append(idx)
        cur = jnp.where(iota == idx, cur - 1000.0, cur)
    out = jnp.concatenate(cols, axis=0)
    out_ref[...] = jnp.broadcast_to(out, (32, 128))


def _gather(idx32, table):
    mesh = plsc.VectorSubcoreMesh(core_axis_name="c", subcore_axis_name="s")

    @functools.partial(
        pl.kernel,
        mesh=mesh,
        out_type=jax.ShapeDtypeStruct((2 * _K * _B, _HALF), jnp.float32),
        scratch_types=[
            pltpu.VMEM((16,), jnp.int32),
            pltpu.VMEM((16,), jnp.int32),
            pltpu.VMEM((1, _HALF), jnp.float32),
            pltpu.SemaphoreType.DMA,
        ],
    )
    def k(idx_hbm, tab_hbm, out_hbm, idx_v, eidx_v, row_v, sem):
        w = lax.axis_index("s") * 2 + lax.axis_index("c")
        r = w >> 3
        b = (w >> 1) & 3
        h = w & 1
        pltpu.sync_copy(idx_hbm.at[r * 8 + b, pl.ds(0, 16)], idx_v)
        eidx_v[...] = idx_v[...] * 2 + h
        pltpu.async_copy(tab_hbm.at[eidx_v.at[pl.ds(0, 1)]], row_v, sem).wait()
        pltpu.sync_copy(row_v, out_hbm.at[pl.ds(b * 8 + r * 2 + h, 1), :])

    return k(idx32, table)


def kernel(x_embed, cls_features, prompt, prompt_key):
    del x_embed
    g0, g1, g2, g3 = _gumbel_rows()
    cls8 = jnp.pad(cls_features, ((0, 8 - _B), (0, 0)))
    idx32 = pl.pallas_call(
        _select_body,
        out_shape=jax.ShapeDtypeStruct((32, 128), jnp.int32),
    )(prompt_key, cls8, g0, g1, g2, g3)
    table = prompt.reshape(2 * _POOL, _HALF)
    rows = _gather(idx32, table)
    return rows.reshape(_B, _K * _LEN, _DIM)

# --- scband reference (transcript-rebuilt; emitter-appended) ---
"""Pipeline reference for scband-gumbel-prompt-pool-11768210391457 (READ-ONLY COPY).

The authoritative reference and input builder live on the scoring server;
editing this copy changes nothing except your own understanding.
"""

import jax, jax.numpy as jnp
import numpy as np

POOL_SIZE = 1024
PROMPT_LENGTH = 8
EMBED_DIM = 768
TOP_K = 4
TAU = 1.0  # torch module defaults to training=True -> tau=1.0, subtractive masking


def l2_normalize(x, axis=-1, epsilon=1e-12):
    square_sum = jnp.sum(x ** 2, axis=axis, keepdims=True)
    x_inv_norm = jax.lax.rsqrt(jnp.maximum(square_sum, epsilon))
    return x * x_inv_norm


def gumbel_softmax_hard(key, logits, tau):
    u = jax.random.uniform(key, logits.shape, minval=1e-20, maxval=1.0)
    g = -jnp.log(-jnp.log(u) + 1e-20)
    y_soft = jax.nn.softmax((logits + g) / tau, axis=-1)
    idx = jnp.argmax(y_soft, axis=-1)
    y_hard = jax.nn.one_hot(idx, logits.shape[-1], dtype=y_soft.dtype)
    # straight-through estimator
    return y_hard - jax.lax.stop_gradient(y_soft) + y_soft


def setup_inputs(seed: int = 0) -> dict:
    key = jax.random.key(seed)
    k1, k2, k3, k4 = jax.random.split(key, 4)
    x_embed = jax.random.normal(k1, (4, 2048, EMBED_DIM), dtype=jnp.float32)
    cls_features = jax.random.normal(k2, (4, EMBED_DIM), dtype=jnp.float32)
    prompt = 0.02 * jax.random.normal(k3, (POOL_SIZE, PROMPT_LENGTH, EMBED_DIM), dtype=jnp.float32)
    prompt_key = 0.02 * jax.random.normal(k4, (POOL_SIZE, EMBED_DIM), dtype=jnp.float32)
    return {"x_embed": x_embed, "cls_features": cls_features, "prompt": prompt, "prompt_key": prompt_key}


def reference(x_embed, cls_features, prompt, prompt_key):
    # embedding_key == 'cls'
    query_features = cls_features
    prompt_key_norm = l2_normalize(prompt_key, axis=1)
    query_norm = l2_normalize(query_features, axis=1)
    similarity = jnp.matmul(query_norm, prompt_key_norm.T)  # [B, pool_size]

    current_similarity = similarity
    selected_prompts = []
    gkey = jax.random.key(42)
    for _ in range(TOP_K):
        gkey, sub = jax.random.split(gkey)
        weights = gumbel_softmax_hard(sub, current_similarity, TAU)  # [B, pool_size]
        # [B, P, 1, 1] * [1, P, L, D] -> sum over P -> [B, L, D]
        a_selected_prompt = jnp.sum(weights[:, :, None, None] * prompt[None, :, :, :], axis=1)
        selected_prompts.append(a_selected_prompt)
        # training=True path: subtractive masking
        current_similarity = current_similarity - weights * 1000.0
    batched_prompt = jnp.concatenate(selected_prompts, axis=1)  # [B, TOP_K*L, D]
    return batched_prompt

if __name__ == "__main__":
    import jax
    _d = setup_inputs()
    print(jax.jit(kernel)(*tuple(_d.values())))

</pallas_src>

<mosaic_0001>
#map = affine_map<(d0, d1) -> (0, 0)>
module attributes {stable_mosaic.version = 14 : i64} {
  func.func @k(%arg0: i32, %arg1: i32, %arg2: memref<32x128xi32, #tpu.memory_space<hbm>>, %arg3: memref<2048x3072xf32, #tpu.memory_space<hbm>>, %arg4: memref<32x3072xf32, #tpu.memory_space<hbm>>, %arg5: memref<16xi32, #tpu.memory_space<vmem>>, %arg6: memref<16xi32, #tpu.memory_space<vmem>>, %arg7: memref<1x3072xf32, #tpu.memory_space<vmem>>, %arg8: memref<!tpu.dma_semaphore, #tpu.memory_space<semaphore_mem>>) attributes {dimension_semantics = [#tpu.dimension_semantics<core_parallel>, #tpu.dimension_semantics<subcore_parallel>], iteration_bounds = array<i64: 2, 16>, scalar_prefetch = 0 : i64, scratch_operands = 4 : i64, tpu.core_type = #tpu.core_type<sc_vector_subcore>, window_params = [{transform_indices = #map}, {transform_indices = #map}, {transform_indices = #map}]} {
    %mul3A = arith.constant 2 : i32
    %mul3A_0 = arith.muli %arg1, %mul3A : i32
    %add3A = arith.addi %mul3A_0, %arg0 : i32
    %shift_right_arithmetic3A = arith.constant 3 : i32
    %shift_right_arithmetic3A_1 = arith.shrsi %add3A, %shift_right_arithmetic3A : i32
    %shift_right_arithmetic3A_2 = arith.constant 1 : i32
    %shift_right_arithmetic3A_3 = arith.shrsi %add3A, %shift_right_arithmetic3A_2 : i32
    %and3A = arith.constant 3 : i32
    %and3A_4 = arith.andi %shift_right_arithmetic3A_3, %and3A : i32
    %and3A_5 = arith.constant 1 : i32
    %and3A_6 = arith.andi %add3A, %and3A_5 : i32
    %mul3A_7 = arith.constant 8 : i32
    %mul3A_8 = arith.muli %shift_right_arithmetic3A_1, %mul3A_7 : i32
    %add3A_9 = arith.addi %mul3A_8, %and3A_4 : i32
    "tpu.region"() ({
      %run_scoped3A = tpu.sem_alloc : memref<!tpu.dma_semaphore, #tpu.memory_space<semaphore_mem>>
      %dma_start3A_34 = arith.constant 0 : i32
      %dma_start3A_35 = tpu.memref_slice %arg2[%add3A_9, %dma_start3A_34] : memref<32x128xi32, #tpu.memory_space<hbm>> -> memref<1x16xi32, #tpu.memory_space<hbm>>
      %dma_start3A_36 = tpu.memref_squeeze %dma_start3A_35 : memref<1x16xi32, #tpu.memory_space<hbm>> -> memref<16xi32, #tpu.memory_space<hbm>>
      %dma_start3A_37 = arith.constant 0 : i32
      %dma_start3A_38 = tpu.memref_slice %arg2[%add3A_9, %dma_start3A_37] : memref<32x128xi32, #tpu.memory_space<hbm>> -> memref<1x16xi32, #tpu.memory_space<hbm>>
      %dma_start3A_39 = tpu.memref_squeeze %dma_start3A_38 : memref<1x16xi32, #tpu.memory_space<hbm>> -> memref<16xi32, #tpu.memory_space<hbm>>
      tpu.enqueue_dma source(%dma_start3A_39 : memref<16xi32, #tpu.memory_space<hbm>>) target(%arg5 : memref<16xi32, #tpu.memory_space<vmem>>) target_semaphore(%run_scoped3A : memref<!tpu.dma_semaphore, #tpu.memory_space<semaphore_mem>>)
      %dma_wait3A_40 = arith.constant 0 : i32
      %dma_wait3A_41 = tpu.memref_slice %arg2[%add3A_9, %dma_wait3A_40] : memref<32x128xi32, #tpu.memory_space<hbm>> -> memref<1x16xi32, #tpu.memory_space<hbm>>
      %dma_wait3A_42 = tpu.memref_squeeze %dma_wait3A_41 : memref<1x16xi32, #tpu.memory_space<hbm>> -> memref<16xi32, #tpu.memory_space<hbm>>
      %dma_wait3A_43 = arith.constant 0 : i32
      %dma_wait3A_44 = tpu.memref_slice %arg2[%add3A_9, %dma_wait3A_43] : memref<32x128xi32, #tpu.memory_space<hbm>> -> memref<1x16xi32, #tpu.memory_space<hbm>>
      %dma_wait3A_45 = tpu.memref_squeeze %dma_wait3A_44 : memref<1x16xi32, #tpu.memory_space<hbm>> -> memref<16xi32, #tpu.memory_space<hbm>>
      tpu.wait_dma2 semaphore(%run_scoped3A : memref<!tpu.dma_semaphore, #tpu.memory_space<semaphore_mem>>) src(%dma_wait3A_45 : memref<16xi32, #tpu.memory_space<hbm>>) dst(%arg5 : memref<16xi32, #tpu.memory_space<vmem>>)
      tpu.yield
    }) : () -> ()
    %get3A = arith.constant 0 : index
    %get3A_10 = tpu.vector_load %arg5[%get3A] {strides = array<i32>} : memref<16xi32, #tpu.memory_space<vmem>>, vector<16xi32>,
    %get3A_11 = vector.shape_cast %get3A_10 : vector<16xi32> to vector<16xi32>
    %mul3A_12 = arith.constant 2 : i32
    %mul3A_13 = vector.broadcast %mul3A_12 : i32 to vector<16xi32>
    %mul3A_14 = arith.muli %get3A_11, %mul3A_13 : vector<16xi32>
    %add3A_15 = vector.broadcast %and3A_6 : i32 to vector<16xi32>
    %add3A_16 = arith.addi %mul3A_14, %add3A_15 : vector<16xi32>
    %swap3A = arith.constant 0 : index
    %swap3A_17 = tpu.vector_load %arg6[%swap3A] {strides = array<i32>} : memref<16xi32, #tpu.memory_space<vmem>>, vector<16xi32>,
    %swap3A_18 = vector.shape_cast %swap3A_17 : vector<16xi32> to vector<16xi32>
    %swap3A_19 = vector.shape_cast %add3A_16 : vector<16xi32> to vector<16xi32>
    tpu.vector_store %arg6[%swap3A], %swap3A_19 {strides = array<i32>} : memref<16xi32, #tpu.memory_space<vmem>>, vector<16xi32>,
    %dma_start3A = arith.constant 0 : i32
    %dma_start3A_20 = tpu.memref_slice %arg6[%dma_start3A] : memref<16xi32, #tpu.memory_space<vmem>> -> memref<1xi32, #tpu.memory_space<vmem>>
    %dma_start3A_21 = arith.constant 0 : i32
    %dma_start3A_22 = arith.constant 0 : i32
    %dma_start3A_23 = tpu.memref_slice %arg3[%dma_start3A_21, %dma_start3A_22] : memref<2048x3072xf32, #tpu.memory_space<hbm>> -> memref<2048x3072xf32, #tpu.memory_space<hbm>>
    tpu.enqueue_indirect_dma source(%dma_start3A_23 : memref<2048x3072xf32, #tpu.memory_space<hbm>>) target(%arg7 : memref<1x3072xf32, #tpu.memory_space<vmem>>) offsets(%dma_start3A_20 : memref<1xi32, #tpu.memory_space<vmem>>) semaphore(%arg8 : memref<!tpu.dma_semaphore, #tpu.memory_space<semaphore_mem>>)
    %dma_wait3A = arith.constant 0 : i32
    %dma_wait3A_24 = tpu.memref_slice %arg6[%dma_wait3A] : memref<16xi32, #tpu.memory_space<vmem>> -> memref<1xi32, #tpu.memory_space<vmem>>
    %dma_wait3A_25 = arith.constant 0 : i32
    %dma_wait3A_26 = arith.constant 0 : i32
    %dma_wait3A_27 = tpu.memref_slice %arg3[%dma_wait3A_25, %dma_wait3A_26] : memref<2048x3072xf32, #tpu.memory_space<hbm>> -> memref<2048x3072xf32, #tpu.memory_space<hbm>>
    tpu.wait_indirect_dma semaphore(%arg8 : memref<!tpu.dma_semaphore, #tpu.memory_space<semaphore_mem>>) src(%dma_wait3A_27 : memref<2048x3072xf32, #tpu.memory_space<hbm>>) dst(%arg7 : memref<1x3072xf32, #tpu.memory_space<vmem>>)
    %mul3A_28 = arith.constant 8 : i32
    %mul3A_29 = arith.muli %and3A_4, %mul3A_28 : i32
    %mul3A_30 = arith.constant 2 : i32
    %mul3A_31 = arith.muli %shift_right_arithmetic3A_1, %mul3A_30 : i32
    %add3A_32 = arith.addi %mul3A_29, %mul3A_31 : i32
    %add3A_33 = arith.addi %add3A_32, %and3A_6 : i32
    "tpu.region"() ({
      %run_scoped3A = tpu.sem_alloc : memref<!tpu.dma_semaphore, #tpu.memory_space<semaphore_mem>>
      %dma_start3A_34 = arith.constant 0 : i32
      %dma_start3A_35 = tpu.memref_slice %arg4[%add3A_33, %dma_start3A_34] : memref<32x3072xf32, #tpu.memory_space<hbm>> -> memref<1x3072xf32, #tpu.memory_space<hbm>>
      %dma_start3A_36 = arith.constant 0 : i32
      %dma_start3A_37 = tpu.memref_slice %arg4[%add3A_33, %dma_start3A_36] : memref<32x3072xf32, #tpu.memory_space<hbm>> -> memref<1x3072xf32, #tpu.memory_space<hbm>>
      tpu.enqueue_dma source(%arg7 : memref<1x3072xf32, #tpu.memory_space<vmem>>) target(%dma_start3A_37 : memref<1x3072xf32, #tpu.memory_space<hbm>>) target_semaphore(%run_scoped3A : memref<!tpu.dma_semaphore, #tpu.memory_space<semaphore_mem>>)
      %dma_wait3A_38 = arith.constant 0 : i32
      %dma_wait3A_39 = tpu.memref_slice %arg4[%add3A_33, %dma_wait3A_38] : memref<32x3072xf32, #tpu.memory_space<hbm>> -> memref<1x3072xf32, #tpu.memory_space<hbm>>
      %dma_wait3A_40 = arith.constant 0 : i32
      %dma_wait3A_41 = tpu.memref_slice %arg4[%add3A_33, %dma_wait3A_40] : memref<32x3072xf32, #tpu.memory_space<hbm>> -> memref<1x3072xf32, #tpu.memory_space<hbm>>
      tpu.wait_dma2 semaphore(%run_scoped3A : memref<!tpu.dma_semaphore, #tpu.memory_space<semaphore_mem>>) src(%arg7 : memref<1x3072xf32, #tpu.memory_space<vmem>>) dst(%dma_wait3A_41 : memref<1x3072xf32, #tpu.memory_space<hbm>>)
      tpu.yield
    }) : () -> ()
    return
  }
}

module attributes {stable_mosaic.version = 14 : i64} {
  func.func @_select_body(%arg0: memref<1024x768xf32, #tpu.memory_space<vmem>>, %arg1: memref<8x768xf32, #tpu.memory_space<vmem>>, %arg2: memref<8x1024xf32, #tpu.memory_space<vmem>>, %arg3: memref<8x1024xf32, #tpu.memory_space<vmem>>, %arg4: memref<8x1024xf32, #tpu.memory_space<vmem>>, %arg5: memref<8x1024xf32, #tpu.memory_space<vmem>>, %arg6: memref<32x128xi32, #tpu.memory_space<vmem>>) attributes {dimension_semantics = [], scalar_prefetch = 0 : i64, scratch_operands = 0 : i64, tpu.core_type = #tpu.core_type<tc>} {
    %get3A = arith.constant 0 : index
    %get3A_0 = arith.constant 0 : index
    %get3A_1 = vector.load %arg0[%get3A, %get3A_0] : memref<1024x768xf32, #tpu.memory_space<vmem>>, vector<1024x768xf32>
    %mul3A = arith.mulf %get3A_1, %get3A_1 : vector<1024x768xf32>
    %reduce_sum3A = arith.constant dense<0.000000e+00> : vector<1024xf32>
    %reduce_sum3A_2 = vector.multi_reduction <add>, %mul3A, %reduce_sum3A [1] : vector<1024x768xf32> to vector<1024xf32>
    %broadcast_in_dim3A = vector.shape_cast %reduce_sum3A_2 : vector<1024xf32> to vector<1024x1xf32>
    %max3A = arith.constant 9.99999996E-13 : f32
    %max3A_3 = vector.broadcast %max3A : f32 to vector<1024x1xf32>
    %max3A_4 = arith.maximumf %broadcast_in_dim3A, %max3A_3 : vector<1024x1xf32>
    %rsqrt3A = math.rsqrt %max3A_4 : vector<1024x1xf32>
    %mul3A_5 = vector.broadcast %rsqrt3A : vector<1024x1xf32> to vector<1024x768xf32>
    %mul3A_6 = arith.mulf %get3A_1, %mul3A_5 : vector<1024x768xf32>
    %get3A_7 = arith.constant 0 : index
    %get3A_8 = arith.constant 0 : index
    %get3A_9 = vector.load %arg1[%get3A_7, %get3A_8] : memref<8x768xf32, #tpu.memory_space<vmem>>, vector<8x768xf32>
    %mul3A_10 = arith.mulf %get3A_9, %get3A_9 : vector<8x768xf32>
    %reduce_sum3A_11 = arith.constant dense<0.000000e+00> : vector<8xf32>
    %reduce_sum3A_12 = vector.multi_reduction <add>, %mul3A_10, %reduce_sum3A_11 [1] : vector<8x768xf32> to vector<8xf32>
    %broadcast_in_dim3A_13 = vector.shape_cast %reduce_sum3A_12 : vector<8xf32> to vector<8x1xf32>
    %max3A_14 = arith.constant 9.99999996E-13 : f32
    %max3A_15 = vector.broadcast %max3A_14 : f32 to vector<8x1xf32>
    %max3A_16 = arith.maximumf %broadcast_in_dim3A_13, %max3A_15 : vector<8x1xf32>
    %rsqrt3A_17 = math.rsqrt %max3A_16 : vector<8x1xf32>
    %mul3A_18 = vector.broadcast %rsqrt3A_17 : vector<8x1xf32> to vector<8x768xf32>
    %mul3A_19 = arith.mulf %get3A_9, %mul3A_18 : vector<8x768xf32>
    %dot_general3A = arith.constant dense<0.000000e+00> : vector<8x1024xf32>
    %dot_general3A_20 = tpu.matmul %mul3A_19, %mul3A_6, %dot_general3A {dimension_numbers = #tpu.dot_dimension_numbers<[1], [1], [0], [0], [0, 0, 1, 0], [], []>, transpose_lhs_hint = false} : vector<8x768xf32>, vector<1024x768xf32>, vector<8x1024xf32> -> vector<8x1024xf32>
    %iota3A = tpu.iota {dimensions = array<i32: 1>} : vector<8x1024xi32>
    %get3A_21 = arith.constant 0 : index
    %get3A_22 = arith.constant 0 : index
    %get3A_23 = vector.load %arg2[%get3A_21, %get3A_22] : memref<8x1024xf32, #tpu.memory_space<vmem>>, vector<8x1024xf32>
    %add3A = arith.addf %dot_general3A_20, %get3A_23 : vector<8x1024xf32>
    %reduce_max3A = arith.constant dense<0xFF800000> : vector<8xf32>
    %reduce_max3A_24 = vector.multi_reduction <maximumf>, %add3A, %reduce_max3A [1] : vector<8x1024xf32> to vector<8xf32>
    %broadcast_in_dim3A_25 = vector.shape_cast %reduce_max3A_24 : vector<8xf32> to vector<8x1xf32>
    %eq3A = vector.broadcast %broadcast_in_dim3A_25 : vector<8x1xf32> to vector<8x1024xf32>
    %eq3A_26 = arith.cmpf oeq, %add3A, %eq3A : vector<8x1024xf32>
    %jit3A = arith.constant 1073741824 : i32
    %broadcast_in_dim3A_27 = vector.broadcast %jit3A : i32 to vector<8x1024xi32>
    %select_n3A = arith.select %eq3A_26, %iota3A, %broadcast_in_dim3A_27 : vector<8x1024xi1>, vector<8x1024xi32>
    %reduce_min3A = arith.constant dense<2147483647> : vector<8xi32>
    %reduce_min3A_28 = vector.multi_reduction <minsi>, %select_n3A, %reduce_min3A [1] : vector<8x1024xi32> to vector<8xi32>
    %broadcast_in_dim3A_29 = vector.shape_cast %reduce_min3A_28 : vector<8xi32> to vector<8x1xi32>
    %eq3A_30 = vector.broadcast %broadcast_in_dim3A_29 : vector<8x1xi32> to vector<8x1024xi32>
    %eq3A_31 = arith.cmpi eq, %iota3A, %eq3A_30 : vector<8x1024xi32>
    %sub3A = arith.constant 1.000000e+03 : f32
    %sub3A_32 = vector.broadcast %sub3A : f32 to vector<8x1024xf32>
    %sub3A_33 = arith.subf %dot_general3A_20, %sub3A_32 : vector<8x1024xf32>
    %select_n3A_34 = arith.select %eq3A_31, %sub3A_33, %dot_general3A_20 : vector<8x1024xi1>, vector<8x1024xf32>
    %get3A_35 = arith.constant 0 : index
    %get3A_36 = arith.constant 0 : index
    %get3A_37 = vector.load %arg3[%get3A_35, %get3A_36] : memref<8x1024xf32, #tpu.memory_space<vmem>>, vector<8x1024xf32>
    %add3A_38 = arith.addf %select_n3A_34, %get3A_37 : vector<8x1024xf32>
    %reduce_max3A_39 = arith.constant dense<0xFF800000> : vector<8xf32>
    %reduce_max3A_40 = vector.multi_reduction <maximumf>, %add3A_38, %reduce_max3A_39 [1] : vector<8x1024xf32> to vector<8xf32>
    %broadcast_in_dim3A_41 = vector.shape_cast %reduce_max3A_40 : vector<8xf32> to vector<8x1xf32>
    %eq3A_42 = vector.broadcast %broadcast_in_dim3A_41 : vector<8x1xf32> to vector<8x1024xf32>
    %eq3A_43 = arith.cmpf oeq, %add3A_38, %eq3A_42 : vector<8x1024xf32>
    %jit3A_44 = arith.constant 1073741824 : i32
    %broadcast_in_dim3A_45 = vector.broadcast %jit3A_44 : i32 to vector<8x1024xi32>
    %select_n3A_46 = arith.select %eq3A_43, %iota3A, %broadcast_in_dim3A_45 : vector<8x1024xi1>, vector<8x1024xi32>
    %reduce_min3A_47 = arith.constant dense<2147483647> : vector<8xi32>
    %reduce_min3A_48 = vector.multi_reduction <minsi>, %select_n3A_46, %reduce_min3A_47 [1] : vector<8x1024xi32> to vector<8xi32>
    %broadcast_in_dim3A_49 = vector.shape_cast %reduce_min3A_48 : vector<8xi32> to vector<8x1xi32>
    %eq3A_50 = vector.broadcast %broadcast_in_dim3A_49 : vector<8x1xi32> to vector<8x1024xi32>
    %eq3A_51 = arith.cmpi eq, %iota3A, %eq3A_50 : vector<8x1024xi32>
    %sub3A_52 = arith.constant 1.000000e+03 : f32
    %sub3A_53 = vector.broadcast %sub3A_52 : f32 to vector<8x1024xf32>
    %sub3A_54 = arith.subf %select_n3A_34, %sub3A_53 : vector<8x1024xf32>
    %select_n3A_55 = arith.select %eq3A_51, %sub3A_54, %select_n3A_34 : vector<8x1024xi1>, vector<8x1024xf32>
    %get3A_56 = arith.constant 0 : index
    %get3A_57 = arith.constant 0 : index
    %get3A_58 = vector.load %arg4[%get3A_56, %get3A_57] : memref<8x1024xf32, #tpu.memory_space<vmem>>, vector<8x1024xf32>
    %add3A_59 = arith.addf %select_n3A_55, %get3A_58 : vector<8x1024xf32>
    %reduce_max3A_60 = arith.constant dense<0xFF800000> : vector<8xf32>
    %reduce_max3A_61 = vector.multi_reduction <maximumf>, %add3A_59, %reduce_max3A_60 [1] : vector<8x1024xf32> to vector<8xf32>
    %broadcast_in_dim3A_62 = vector.shape_cast %reduce_max3A_61 : vector<8xf32> to vector<8x1xf32>
    %eq3A_63 = vector.broadcast %broadcast_in_dim3A_62 : vector<8x1xf32> to vector<8x1024xf32>
    %eq3A_64 = arith.cmpf oeq, %add3A_59, %eq3A_63 : vector<8x1024xf32>
    %jit3A_65 = arith.constant 1073741824 : i32
    %broadcast_in_dim3A_66 = vector.broadcast %jit3A_65 : i32 to vector<8x1024xi32>
    %select_n3A_67 = arith.select %eq3A_64, %iota3A, %broadcast_in_dim3A_66 : vector<8x1024xi1>, vector<8x1024xi32>
    %reduce_min3A_68 = arith.constant dense<2147483647> : vector<8xi32>
    %reduce_min3A_69 = vector.multi_reduction <minsi>, %select_n3A_67, %reduce_min3A_68 [1] : vector<8x1024xi32> to vector<8xi32>
    %broadcast_in_dim3A_70 = vector.shape_cast %reduce_min3A_69 : vector<8xi32> to vector<8x1xi32>
    %eq3A_71 = vector.broadcast %broadcast_in_dim3A_70 : vector<8x1xi32> to vector<8x1024xi32>
    %eq3A_72 = arith.cmpi eq, %iota3A, %eq3A_71 : vector<8x1024xi32>
    %sub3A_73 = arith.constant 1.000000e+03 : f32
    %sub3A_74 = vector.broadcast %sub3A_73 : f32 to vector<8x1024xf32>
    %sub3A_75 = arith.subf %select_n3A_55, %sub3A_74 : vector<8x1024xf32>
    %select_n3A_76 = arith.select %eq3A_72, %sub3A_75, %select_n3A_55 : vector<8x1024xi1>, vector<8x1024xf32>
    %get3A_77 = arith.constant 0 : index
    %get3A_78 = arith.constant 0 : index
    %get3A_79 = vector.load %arg5[%get3A_77, %get3A_78] : memref<8x1024xf32, #tpu.memory_space<vmem>>, vector<8x1024xf32>
    %add3A_80 = arith.addf %select_n3A_76, %get3A_79 : vector<8x1024xf32>
    %reduce_max3A_81 = arith.constant dense<0xFF800000> : vector<8xf32>
    %reduce_max3A_82 = vector.multi_reduction <maximumf>, %add3A_80, %reduce_max3A_81 [1] : vector<8x1024xf32> to vector<8xf32>
    %broadcast_in_dim3A_83 = vector.shape_cast %reduce_max3A_82 : vector<8xf32> to vector<8x1xf32>
    %eq3A_84 = vector.broadcast %broadcast_in_dim3A_83 : vector<8x1xf32> to vector<8x1024xf32>
    %eq3A_85 = arith.cmpf oeq, %add3A_80, %eq3A_84 : vector<8x1024xf32>
    %jit3A_86 = arith.constant 1073741824 : i32
    %broadcast_in_dim3A_87 = vector.broadcast %jit3A_86 : i32 to vector<8x1024xi32>
    %select_n3A_88 = arith.select %eq3A_85, %iota3A, %broadcast_in_dim3A_87 : vector<8x1024xi1>, vector<8x1024xi32>
    %reduce_min3A_89 = arith.constant dense<2147483647> : vector<8xi32>
    %reduce_min3A_90 = vector.multi_reduction <minsi>, %select_n3A_88, %reduce_min3A_89 [1] : vector<8x1024xi32> to vector<8xi32>
    %broadcast_in_dim3A_91 = vector.shape_cast %reduce_min3A_90 : vector<8xi32> to vector<8x1xi32>
    %concatenate3A = tpu.concatenate %broadcast_in_dim3A_29, %broadcast_in_dim3A_49, %broadcast_in_dim3A_70, %broadcast_in_dim3A_91 in 0 : vector<8x1xi32>, vector<8x1xi32>, vector<8x1xi32>, vector<8x1xi32> -> vector<32x1xi32>
    %broadcast_in_dim3A_92 = vector.shape_cast %concatenate3A : vector<32x1xi32> to vector<32x1xi32>
    %broadcast_in_dim3A_93 = vector.broadcast %broadcast_in_dim3A_92 : vector<32x1xi32> to vector<32x128xi32>
    %swap3A = arith.constant 0 : index
    %swap3A_94 = arith.constant 0 : index
    %swap3A_95 = vector.load %arg6[%swap3A, %swap3A_94] : memref<32x128xi32, #tpu.memory_space<vmem>>, vector<32x128xi32>
    tpu.vector_store %arg6[%swap3A, %swap3A_94], %broadcast_in_dim3A_93 {strides = array<i32>} : memref<32x128xi32, #tpu.memory_space<vmem>>, vector<32x128xi32>,
    return
  }
}

</mosaic_0001>

<sc_bundles>
// kernel: kernel.4.cloned.1.call-start
scs
__scs_entry_jumppad:
0x0: {  	(pc) =	sbr.rel $0x88, $3  }
0x1: {  	(tag) =	ssettag $0x0;
	lr =	simm.s32 $0x1  }
0x2: {  	[smem:$0x3F9E] =	sst lr;
	_ =	strace $0xD0000000  }
0x3: {  	_ = 	snop  }
0x4: {  	_ = 	snop  }
0x5: {  	_ = 	snop  }
0x6: {  	_ = 	snop  }
0x7: {  	_ = 	snop  }
__scs_overlays_trampoline_lowered:
0x8: {  	[smem:$0x3FAD] =	sst s0  }
0x9: {  	[smem:$0x3FAE] =	sst s1  }
0xa: {  	[smem:$0x3FAF] =	sst s2  }
0xb: {  	[smem:$0x3FB0] =	sst s3  }
0xc: {  	[smem:$0x3FB1] =	sst s4  }
0xd: {  	[smem:$0x3FB2] =	sst s5  }
0xe: {  	[smem:$0x3FB3] =	sst s6  }
0xf: {  	[smem:$0x3FB4] =	sst s7  }
0x10: {  	[smem:$0x3FB5] =	sst s8  }
0x11: {  	[smem:$0x3FB6] =	sst s9;
	s0 =	simm.s32 @!p0 $0x0  }
0x12: {  	s1 =	sld [smem:$0x3F9C];
	s0 =	simm.s32 @p0 $0x1  }
0x13: {  	[smem:$0x3FB7] =	sst s0;
	s0 =	simm.s32 @!p1 $0x0  }
0x14: {  	s2 =	sld [smem:$0x3F9B];
	s0 =	simm.s32 @p1 $0x1  }
0x15: {  	[smem:$0x3FB8] =	sst s0;
	s0 =	simm.s32 @!p2 $0x0  }
0x16: {  	s3 =	sld [smem:$0x3FDB];
	s0 =	simm.s32 @p2 $0x1  }
0x17: {  	s4 =	simm.s32 $0x1BF5;
	[smem:$0x3FBA] =	sst s0  }
0x18: {  	s0 =	sld [smem:$0x3F9D];
	_ =	swait.ge [sflag:s4], $0x0  }
0x19: {  	s7 =	sld [smem:$0x3F9E]  }
0x1a: {  	s8 =	sadd.s32 $0xFFFFE003, lr  }
0x1b: {  	s9 =	sadd.s32 $0xFFFFFEF7, lr;
	s5 =	simm.s32 $0xFFFFFFFF;
	p2 =	slt.u32 s8, $0xFFFFF086  }
0x1c: {  	p1 =	slt.u32 s9, $0xF7A;
	s5 =	simm.s32 @!p2 $0x0  }
0x1d: {  	s5 =	simm.s32 @p1 $0x1;
	p0 =	seq.s32 s7, s2  }
0x1e: {  	s7 =	smul.u32 @!p0 $0xF7A, s2;
	p2 =	seq.s32 @!p0 s5, $0x0  }
0x1f: {  	s9 =	smul.u32 $0xF7A, s1;
	s8 =	simm.s32 @!p0 $0x1BF5;
	p2 =	por !p2, p0  }
0x20: {  	[sflag:s8] =	ssyncset.s32 @!p0 $0xFFFFF086;
	s6 =	sadd.s32 @!p0 s3, s7;
	s7 =	simm.s32 @!p0 $0x108  }
0x21: {  	s3 =	sadd.s32 s3, s9;
	s6 =	sadd.s32 @!p0 $0x88, s6;
	s7 =	simm.s32 @p2 $0x1082  }
0x22: {  	[simem:s7], [sflag:s8] =	dma.local @!p0 [hbm:s6], $0xF7A  }
0x23: {  	s9 =	sor.u32 $0xD0000000, s2;
	s6 =	simm.s32 $0x108;
	_ =	swait.ge @!p0 [sflag:s8], $0x0  }
0x24: {  	s3 =	sadd.s32 $0x88, s3;
	s6 =	simm.s32 @!p1 $0x1082;
	[sflag:s4] =	ssyncset.s32 $0xFFFFF086  }
0x25: {  	[simem:s6], [sflag:s4] =	dma.local [hbm:s3], $0xF7A  }
0x26: {  	[smem:$0x3F9E] =	sst s1;
	(tag) =	ssettag s2;
	_ =	strace s9  }
0x27: {  	s1 =	sld [smem:$0x3FAE]  }
0x28: {  	s2 =	sld [smem:$0x3FAF]  }
0x29: {  	s4 =	sld [smem:$0x3FB1]  }
0x2a: {  	p0 =	seq.s32 s5, $0x0;
	s5 =	sld [smem:$0x3FB2]  }
0x2b: {  	s6 =	sld [smem:$0x3FB3]  }
0x2c: {  	s7 =	sld [smem:$0x3FB4]  }
0x2d: {  	s3 =	simm.s32 $0x108;
	s8 =	sld [smem:$0x3FB5]  }
0x2e: {  	s3 =	simm.s32 @!p0 $0x1082;
	s9 =	sld [smem:$0x3FB6]  }
0x2f: {  	lr =	sadd.s32 s0, s3;
	s0 =	sld [smem:$0x3FAD]  }
0x30: {  	s3 =	sld [smem:$0x3FB0]  }
0x31: {  	[smem:$0x3FB9] =	sst s10  }
0x32: {  	s10 =	sld [smem:$0x3FB7];
	_ =	sdelay $0x3  }
0x33: {  	p0 =	seq.s32 s10, $0x1;
	s10 =	sld [smem:$0x3FB9];
	_ =	sdelay $0x3  }
0x34: {  	[smem:$0x3FB9] =	sst s10  }
0x35: {  	s10 =	sld [smem:$0x3FB8];
	_ =	sdelay $0x3  }
0x36: {  	p1 =	seq.s32 s10, $0x1;
	s10 =	sld [smem:$0x3FB9];
	_ =	sdelay $0x3  }
0x37: {  	[smem:$0x3FB9] =	sst s10  }
0x38: {  	s10 =	sld [smem:$0x3FBA]  }
0x39: {  	_ = 	snop;
	(pc) =	sbr.ind lr, $3  }
0x3a: {  	_ = 	snop  }
0x3b: {  	_ = 	snop  }
0x3c: {  	p2 =	seq.s32 s10, $0x1;
	s10 =	sld [smem:$0x3FB9]  }
0x3d: {  	_ =	shalt  }
0x3e: {  	_ =	shalt  }
0x3f: {  	_ =	shalt  }
0x40: {  	_ =	shalt  }
0x41: {  	_ =	shalt  }
0x42: {  	_ =	shalt  }
0x43: {  	_ =	shalt  }
0x44: {  	_ =	shalt  }
0x45: {  	_ =	shalt  }
0x46: {  	_ =	shalt  }
0x47: {  	_ =	shalt  }
0x48: {  	_ =	shalt  }
0x49: {  	_ =	shalt  }
0x4a: {  	_ =	shalt  }
0x4b: {  	_ =	shalt  }
0x4c: {  	_ =	shalt  }
0x4d: {  	_ =	shalt  }
0x4e: {  	_ =	shalt  }
0x4f: {  	_ =	shalt  }
0x50: {  	_ =	shalt  }
0x51: {  	_ =	shalt  }
0x52: {  	_ =	shalt  }
0x53: {  	_ =	shalt  }
0x54: {  	_ =	shalt  }
0x55: {  	_ =	shalt  }
0x56: {  	_ =	shalt  }
0x57: {  	_ =	shalt  }
0x58: {  	_ =	shalt  }
0x59: {  	_ =	shalt  }
0x5a: {  	_ =	shalt  }
0x5b: {  	_ =	shalt  }
0x5c: {  	_ =	shalt  }
0x5d: {  	_ =	shalt  }
0x5e: {  	_ =	shalt  }
0x5f: {  	_ =	shalt  }
0x60: {  	_ =	shalt  }
0x61: {  	_ =	shalt  }
0x62: {  	_ =	shalt  }
0x63: {  	_ =	shalt  }
0x64: {  	_ =	shalt  }
0x65: {  	_ =	shalt  }
0x66: {  	_ =	shalt  }
0x67: {  	_ =	shalt  }
0x68: {  	_ =	shalt  }
0x69: {  	_ =	shalt  }
0x6a: {  	_ =	shalt  }
0x6b: {  	_ =	shalt  }
0x6c: {  	_ =	shalt  }
0x6d: {  	_ =	shalt  }
0x6e: {  	_ =	shalt  }
0x6f: {  	_ =	shalt  }
0x70: {  	_ =	shalt  }
0x71: {  	_ =	shalt  }
0x72: {  	_ =	shalt  }
0x73: {  	_ =	shalt  }
0x74: {  	_ =	shalt  }
0x75: {  	_ =	shalt  }
0x76: {  	_ =	shalt  }
0x77: {  	_ =	shalt  }
0x78: {  	_ =	shalt  }
0x79: {  	_ =	shalt  }
0x7a: {  	_ =	shalt  }
0x7b: {  	_ =	shalt  }
0x7c: {  	_ =	shalt  }
0x7d: {  	_ =	shalt  }
0x7e: {  	_ =	shalt  }
0x7f: {  	_ =	shalt  }
0x80: {  	_ =	shalt  }
0x81: {  	_ =	shalt  }
0x82: {  	_ =	shalt  }
0x83: {  	_ =	shalt  }
0x84: {  	_ =	shalt  }
0x85: {  	_ =	shalt  }
0x86: {  	_ =	shalt  }
0x87: {  	_ =	shalt  }
.Lfunc_end0:
.L_simem_size_0:
called_computation_lowered:
.L_overlay_start_0:
0x88: {  	s2 =	sld [smem:$0x3FD9]  }
0x89: {  	s3 =	sld [smem:$0x3FFE];
	_ =	sdelay $0x1  }
0x8a: {  	s1 =	srdreg.scid  }
0x8b: {  	s0 =	sand.u32 $0x1, s1  }
0x8c: {  	s17 =	sshll.u32 s0, $0xA;
	s2 =	sadd.s32 s3, s2  }
0x8d: {  	s2 =	sadd.s32 s2, s17  }
0x8e: {  	[smem:$0x3FC5] =	sst s2  }
0x8f: {  	_ = 	snop  }
0x90: {  	s2 =	sld [smem:$0x3FD0];
	(tm) =	ssettm $0x1  }
0x91: {  	s18 =	sld [smem:$0x3FFB];
	_ =	sdelay $0x3  }
0x92: {  	_ =	strace s18  }
0x93: {  	s3 =	sld [smem:$0x3FFC];
	_ =	sdelay $0x3  }
0x94: {  	_ =	strace s3  }
0x95: {  	s3 =	sld [smem:$0x3FFD];
	_ =	sdelay $0x3  }
0x96: {  	_ =	strace s3  }
0x97: {  	_ =	strace $0x8FFFFFFF  }
0x98: {  	s19 =	sld [smem:$0x3FDB];
	_ =	sdelay $0x1  }
0x99: {  	s4 =	simm.s32 $_scs_section_size  }
0x9a: {  	s5 =	simm.s32 $_size__tile_overlayer_lowered;
	s6 =	simm.s32 $_tile_overlayer_lowered  }
0x9b: {  	s22 =	simm.s32 $0x1BFF;
	s21 =	sshll.u32 s6, $0x1;
	s3 =	sadd.s32 s4, s19  }
0x9c: {  	s7 =	simm.s32 $0x0;
	s20 =	sshll.u32 s5, $0x1;
	s5 =	sadd.s32 s21, s3  }
0x9d: {  	[timem:s7], [sflag:s22] =	dma.local [hbm:s5], s20  }
0x9e: {  	_ =	swait.ge [sflag:s22], s20  }
0x9f: {  	s4 =	ssub.s32 $0x0, s20;
	[sflag:s22] =	ssyncset.done $0x0  }
0xa0: {  	[sflag:s22] =	ssyncadd.s32 s4;
	_ =	sdelay $0x1  }
0xa1: {  	s23 =	simm.s32 $0x1B8B  }
0xa2: {  	_ =	swait.ge [sflag:s23], $0x1  }
0xa3: {  	[sflag:s23] =	ssyncset.done $0x0  }
0xa4: {  	s25 =	simm.s32 $0x1B8E;
	s24 =	sld [smem:$0x3FFE];
	[sflag:s23] =	ssyncadd.s32 $0xFFFFFFFF  }
0xa5: {  	s26 =	simm.s32 $execute0_lowered;
	[smem:$0x3FD2] =	sst s25  }
0xa6: {  	s5 =	sshll.u32 s26, $0x1;
	_ =	strace $0x80000046;
	[dreg:$0x1] =	wrdreg $0xFFFFFFFF  }
0xa7: {  	s28 =	simm.s32 $_size_execute0_lowered;
	s3 =	sadd.s32 s3, s5;
	[dreg:$0x0] =	wrdreg $0x0  }
0xa8: {  	s5 =	sshll.u32 s28, $0x1;
	[dreg:$0x2] =	wrdreg s3  }
0xa9: {  	[dreg:$0x3] =	wrdreg s5  }
0xaa: {  	[dreg:$0x4] =	wrdreg $0xC0  }
0xab: {  	_ =	task [dreg:s7], $0x5FFFF  }
0xac: {  	[dreg:$0x1] =	wrdreg $0xFFFFFFFF  }
0xad: {  	[dreg:$0x0] =	wrdreg $0x60  }
0xae: {  	[dreg:$0x2] =	wrdreg s2  }
0xaf: {  	[dreg:$0x3] =	wrdreg s24  }
0xb0: {  	[dreg:$0x4] =	wrdreg $0x9  }
0xb1: {  	_ =	task.clear_ibuf [dreg:s7], $0x5FFFF;
	_ =	strace $0x90000046  }
0xb2: {  	s29 =	simm.s32 $0x9;
	_ =	strace $0x80000048  }
0xb3: {  	_ =	swait.ge [sflag:s29], $0x1  }
0xb4: {  	[sflag:s29] =	ssyncadd.s32 $0xFFFFFFFF  }
0xb5: {  	_ =	strace $0x90000048  }
0xb6: {  	_ =	sfence  }
0xb7: {  	s30 =	sld [smem:$0x0];
	_ =	sdelay $0x2  }
0xb8: {  	s31 =	sshll.u32 s1, $0xD;
	s1 =	sshrl.u32 s1, $0x2  }
0xb9: {  	s3 =	sand.u32 $0x4000, s31;
	s1 =	sadd.s32 s1, s30  }
0xba: {  	s0 =	sor.u32 s3, s0;
	s1 =	sshll.u32 s1, $0x11  }
0xbb: {  	s0 =	sor.u32 s1, s0  }
0xbc: {  	s0 =	sadd.s32 $0x8F2B, s0  }
0xbd: {  	[sflag:s0] =	ssyncadd.remote.s32 $0x1  }
0xbe: {  	_ =	sfence.sel $0xFFFF  }
0xbf: {  	[dreg:$0x0] =	wrdreg $0xFFFFFFFF;
	(pc) =	sbr.abs _section_cstart, $3  }
0xc0: {  	[dreg:$0x1] =	wrdreg $0xFFFFFFFF  }
0xc1: {  	_ =	task.clear_ibuf [dreg:s7], $0x2FFFF;
	_ =	strace $0x9FFFFFFF  }
0xc2: {  	(tm) =	ssettm $0x7FFFFFFF  }
0xc3: {  	_ =	shalt  }
tec
execute0_lowered:
.L_overlay_start_1:
0x0: {  	(tag) =	ssettag $0x1  }
0x1: {  	s0 =	stileid.u32;
	s3 =	rddreg [dreg:$0x0]  }
0x2: {  	s10 =	rddreg [dreg:$0x1];
	s1 =	sshll.u32 s0, $0x1  }
0x3: {  	s2 =	simm.s32 $0x0;
	s5 =	sand.u32 $0x3, s0;
	s4 =	sand.u32 $0x18, s1  }
0x4: {  	[smem:$0x7FF] =	sst s2;
	s4 =	sor.u32 s5, s4  }
0x5: {  	s1 =	rddreg [dreg:$0x2];
	s4 =	sshll.u32 s4, $0x4  }
0x6: {  	_ =	strace $0x80000047;
	s4 =	sadd.s32 s3, s4;
	s3 =	simm.s32 $0x2  }
0x7: {  	[tilespmem:s2], [sflag:$0x2] =	stream.linear.gather [hbm4b:s4+s2], $0x10, $0x38;
	[tilespmem:$0xD00] =	vst v63  }
0x8: {  	_ =	swait.ge [sflag:s3], $0x10  }
0x9: {  	[sflag:s3] =	ssyncset.done $0x0  }
0xa: {  	[sflag:s3] =	ssyncadd.s32 $0xFFFFFFF0  }
0xb: {  	v1 =	vld [tilespmem:$0x0];
	_ =	sdelay $0x2  }
0xc: {  	s6 =	srdreg.scid  }
0xd: {  	s6 =	sand.u32 $0x1, s6  }
0xe: {  	v0 =	vmov s6;
	v1 =	vshll.u32 v1, $0x1  }
0xf: {  	v1 =	vor.u32 v0, v1  }
0x10: {  	[tilespmem:$0x80] =	vst v1  }
0x11: {  	v1 =	vld.msk [tilespmem:$0x80], $0x1;
	_ =	sdelay $0x4  }
0x12: {  	v2 =	vshrl.u32 v1, $0x3  }
0x13: {  	v2 =	vmul.u32 $0xC0, v2  }
0x14: {  	v3 =	vand.u32 $0x7, v1  }
0x15: {  	v4 =	vlaneseq.u32;
	v1 =	vimm.s32 $0x0;
	v3 =	vor.u32 v3, v2  }
0x16: {  	v2 =	vmul.u32 $0x8, v4;
	v3 =	vperm.xlane v3, v1;
	_ =	sdelay $0x1  }
0x17: {  	s7 =	sshrl.u32 s0, $0x1;
	v3 =	vadd.s32 v2, v3  }
0x18: {  	s9 =	simm.s32 $0x1;
	s7 =	sand.u32 $0x6, s7;
	s8 =	smul.u32 $0x6000, s5  }
0x19: {  	s11 =	ssub.s32 $0x2, s6;
	s31 =	sor.u32 s6, s7;
	s5 =	sadd.s32 $0x2400, s10  }
0x1a: {  	s13 =	sshrl.u32 s11, $0x1;
	s6 =	simm.s32 $0x100;
	s7 =	sshll.u32 s31, $0x7  }
0x1b: {  	vm0 =	vmmov $0xffff;
	s11 =	ssub.s32 s11, s13;
	s7 =	sor.u32 s8, s7;
	s8 =	simm.s32 $0x900  }
0x1c: {  	[tilespmem:s6], [sflag:$0x1] =	stream.indirect_vreg.gather [hbm4b:s5+s2], $0x80, v3, vm0, $0xb8;
	[tilespmem:$0xD00] =	vst v63  }
0x1d: {  	vm1 =	vmmov $0xff;
	s13 =	smax.u32 s11, $0x1;
	s12 =	sshrl.u32 s7, $0x3;
	s7 =	sadd.s32 $0x2C00, s10  }
0x1e: {  	[tilespmem:s8], [sflag:$0x1] =	stream.indirect_vreg.gather [hbm4b:s7+s2], $0x80, v3, vm1, $0xb8;
	[tilespmem:$0xD00] =	vst v63  }
0x1f: {  	s11 =	simm.s32 $0x80;
	p0 =	sne.s32 s13, $0x1;
	_ =	swait.ge [sflag:s9], $0xC00  }
.Ltmp0:
0x20: {  	s10 =	sadd.s32 s12, s10;
	[sflag:s9] =	ssyncset.done $0x0;
	(pc) =	sbr.rel @!p0 .LBB2_2-.Ltmp0, $4  }
0x21: {  	s12 =	simm.s32 $0x400;
	s10 =	sadd.s32 $0xC2400, s10;
	[sflag:s9] =	ssyncadd.s32 $0xFFFFF400  }
0x22: {  	[hbm4b:s10+s11] =	stream.strided.scatter [tilespmem:s6], [sflag:$0x2], $0xC00, s12, s11, $0x38;
	[tilespmem:$0xD00] =	vst v63  }
0x23: {  	_ =	swait.ge [sflag:s3], $0xC00  }
0x24: {  	s13 =	sadd.s32 $0xFFFFFFFF, s13;
	[sflag:s3] =	ssyncset.done $0x0  }
.LBB2_1:
0x25: {  	p0 =	sne.s32 s13, $0x1;
	s13 =	sadd.s32 $0xFFFFFFFF, s13;
	[sflag:s3] =	ssyncadd.s32 $0xFFFFF400  }
0x26: {  	[tilespmem:s2], [sflag:$0x2] =	stream.linear.gather [hbm4b:s4+s2], $0x10, $0x38;
	[tilespmem:$0xD00] =	vst v63  }
0x27: {  	_ =	swait.ge [sflag:s3], $0x10  }
0x28: {  	[sflag:s3] =	ssyncset.done $0x0  }
0x29: {  	[sflag:s3] =	ssyncadd.s32 $0xFFFFFFF0  }
0x2a: {  	v3 =	vld [tilespmem:$0x0];
	_ =	sdelay $0x4  }
0x2b: {  	v3 =	vshll.u32 v3, $0x1  }
0x2c: {  	v3 =	vor.u32 v0, v3  }
0x2d: {  	[tilespmem:$0x80] =	vst v3  }
0x2e: {  	v3 =	vld.msk [tilespmem:$0x80], $0x1;
	_ =	sdelay $0x4  }
0x2f: {  	v4 =	vshrl.u32 v3, $0x3  }
0x30: {  	v4 =	vmul.u32 $0xC0, v4  }
0x31: {  	v3 =	vand.u32 $0x7, v3  }
0x32: {  	v3 =	vor.u32 v3, v4  }
0x33: {  	v3 =	vperm.xlane v3, v1;
	_ =	sdelay $0x1  }
0x34: {  	v3 =	vadd.s32 v2, v3;
	_ =	sdelay $0x4  }
0x35: {  	[tilespmem:s6], [sflag:$0x1] =	stream.indirect_vreg.gather [hbm4b:s5+s2], $0x80, v3, vm0, $0xb8;
	[tilespmem:$0xD00] =	vst v63  }
0x36: {  	_ = 	snop  }
0x37: {  	[tilespmem:s8], [sflag:$0x1] =	stream.indirect_vreg.gather [hbm4b:s7+s2], $0x80, v3, vm1, $0xb8;
	[tilespmem:$0xD00] =	vst v63  }
0x38: {  	_ =	swait.ge [sflag:s9], $0xC00  }
.Ltmp1:
0x39: {  	[sflag:s9] =	ssyncset.done $0x0;
	(pc) =	sbr.rel @p0 .LBB2_1-.Ltmp1, $4  }
0x3a: {  	[sflag:s9] =	ssyncadd.s32 $0xFFFFF400  }
0x3b: {  	[hbm4b:s10+s11] =	stream.strided.scatter [tilespmem:s6], [sflag:$0x2], $0xC00, s12, s11, $0x38;
	[tilespmem:$0xD00] =	vst v63  }
0x3c: {  	_ =	swait.ge [sflag:s3], $0xC00  }
0x3d: {  	[sflag:s3] =	ssyncset.done $0x0  }
.LBB2_2:
0x3e: {  	[sflag:s3] =	ssyncadd.s32 $0xFFFFF400  }
0x3f: {  	_ =	sfence.sel $0x180000  }
0x40: {  	[bflag:$0x0] =	sbarrier.arrive $0xFFFF  }
0x41: {  	p0 =	sne.s32 s0, $0x0;
	_ =	strace $0x90000047  }
0x42: {  	s0 =	sadd.s32 @!p0 $0x100000, s1;
	[bflag:$0x2] =	sbarrier.arrive $0xFFFF  }
0x43: {  	[sflag:s0] =	ssyncadd.tile.s32 @!p0 $0x1;
	_ =	shalt  }
.Lfunc_end2:
_tile_overlayer_lowered:
.L_overlay_start_2:
0x44: {  	(tag) =	ssettag $0x2  }
0x45: {  	s0 =	rddreg [dreg:$0x0];
	s2 =	stileid.u32  }
0x46: {  	s1 =	rddreg [dreg:$0x1];
	p0 =	sne.s32 s2, $0x0  }
0x47: {  	s3 =	rddreg [dreg:$0x2];
	[bflag:$0x3] =	sbarrier.arrive $0xFFFF;
	s2 =	simm.s32 @!p0 $0x1C02  }
0x48: {  	[timem:s3], [sflag:s2] =	dma.local @!p0 [hbm:s0], s1  }
0x49: {  	s0 =	simm.s32 @!p0 $0x2  }
0x4a: {  	_ =	swait.ge @!p0 [sflag:s0], s1  }
0x4b: {  	s1 =	ssub.s32 @!p0 $0x0, s1;
	[sflag:s0] =	ssyncset.done @!p0 $0x0  }
0x4c: {  	[sflag:s0] =	ssyncadd.s32 @!p0 s1  }
0x4d: {  	[bflag:$0x3] =	sbarrier.arrive $0xFFFF  }
0x4e: {  	_ =	shalt  }

</sc_bundles>
